<compile_context>
chip_gen: v7x
topology: tpu7x:2x2x1
jax: 0.10.2.dev20260603
libtpu: 0.0.44.dev20260713+nightly
codegen_flags: <defaults>
</compile_context>

<pallas_src>
import functools

import jax
import jax.numpy as jnp
from jax import lax
from jax.experimental import pallas as pl
from jax.experimental.pallas import tpu as pltpu
from jax.experimental.pallas import tpu_sc as plsc

_NC = 2
_NS = 16
_L = 16
_NW = _NC * _NS

_N = 16 * 4096
_CHUNK = _N // _NW
_VECS = _CHUNK // _L

_mesh = plsc.VectorSubcoreMesh(
    core_axis_name="c", subcore_axis_name="s",
    num_cores=_NC, num_subcores=_NS,
)


@functools.partial(
    pl.kernel,
    out_type=jax.ShapeDtypeStruct((_N,), jnp.float32),
    mesh=_mesh,
    compiler_params=pltpu.CompilerParams(needs_layout_passes=False),
    scratch_types=[
        pltpu.VMEM((_CHUNK,), jnp.float32),
        pltpu.VMEM((_CHUNK,), jnp.float32),
    ],
)
def _compact(x_hbm, out_hbm, in_v, keep_v):
    wid = lax.axis_index("s") * _NC + lax.axis_index("c")
    base = wid * _CHUNK
    row = wid // 2
    col = (wid % 2) * _CHUNK
    pltpu.sync_copy(x_hbm.at[row, pl.ds(col, _CHUNK)], in_v)

    def step(i, off):
        v = in_v[pl.ds(pl.multiple_of(i * _L, _L), _L)]
        keep = v == v
        ones = jnp.where(keep, jnp.int32(1), jnp.int32(0))
        prefix = plsc.cumsum(ones)
        plsc.store_scatter(keep_v, [off + prefix - 1], v, mask=keep)
        return off + plsc.all_reduce_population_count(keep)

    lax.fori_loop(0, _VECS, step, jnp.zeros((_L,), jnp.int32), unroll=8)


def kernel(x):
    return _compact(x).reshape(1, _N, 1)

# --- scband reference (transcript-rebuilt; emitter-appended) ---
"""Pipeline reference for scband-vectorize-65524021067784 (READ-ONLY COPY).

The authoritative reference and input builder live on the scoring server;
editing this copy changes nothing except your own understanding.
"""

import jax, jax.numpy as jnp
import numpy as np


def setup_inputs(seed: int = 0) -> dict:
    key = jax.random.key(seed)
    # Padded batch of sequences; randn fill produces no NaNs, so the mask is
    # all-False and every element survives compaction (output length = 16*4096).
    x = jax.random.normal(key, (16, 4096), dtype=jnp.float32)
    return {"x": x}


def reference(x):
    # Faithful translation of Vectorize.call:
    #   mask = tf.math.is_nan(x)
    #   var_clean = tf.reshape(x[~mask], (1, -1, 1))
    mask = jnp.isnan(x)
    flat = x.ravel()
    keep = (~mask).ravel()
    # Stable partition: kept (non-NaN) elements move to the front in original
    # order; since the mask is all-False, all elements are kept and the output
    # has the static length flat.shape[0].
    order = jnp.argsort(jnp.logical_not(keep), stable=True)
    var_clean = flat[order].reshape(1, flat.shape[0], 1)
    return var_clean

if __name__ == "__main__":
    import jax
    _d = setup_inputs()
    print(jax.jit(kernel)(*tuple(_d.values())))

</pallas_src>

<mosaic_0001>
#map = affine_map<(d0, d1) -> (0, 0)>
#map1 = affine_map<(d0, d1) -> (0)>
module attributes {stable_mosaic.version = 14 : i64} {
  func.func @_compact(%arg0: i32, %arg1: i32, %arg2: memref<16x4096xf32, #tpu.memory_space<hbm>>, %arg3: memref<65536xf32, #tpu.memory_space<hbm>>, %arg4: memref<2048xf32, #tpu.memory_space<vmem>>, %arg5: memref<2048xf32, #tpu.memory_space<vmem>>) attributes {dimension_semantics = [#tpu.dimension_semantics<core_parallel>, #tpu.dimension_semantics<subcore_parallel>], iteration_bounds = array<i64: 2, 16>, scalar_prefetch = 0 : i64, scratch_operands = 2 : i64, tpu.core_type = #tpu.core_type<sc_vector_subcore>, window_params = [{transform_indices = #map}, {transform_indices = #map1}]} {
    %mul3A = arith.constant 2 : i32
    %mul3A_0 = arith.muli %arg1, %mul3A : i32
    %add3A = arith.addi %mul3A_0, %arg0 : i32
    %mul3A_1 = arith.constant 2048 : i32
    %mul3A_2 = arith.muli %add3A, %mul3A_1 : i32
    %jit3A = arith.constant 2 : i32
    %div3A = arith.divsi %add3A, %jit3A : i32
    %sign3A = arith.constant 0 : i32
    %sign3A_3 = arith.cmpi sgt, %add3A, %sign3A : i32
    %sign3A_4 = arith.extui %sign3A_3 : i1 to i32
    %sign3A_5 = arith.constant 0 : i32
    %sign3A_6 = arith.cmpi slt, %add3A, %sign3A_5 : i32
    %sign3A_7 = arith.extui %sign3A_6 : i1 to i32
    %sign3A_8 = arith.subi %sign3A_4, %sign3A_7 : i32
    %sign3A_9 = arith.constant 0 : i32
    %sign3A_10 = arith.cmpi sgt, %jit3A, %sign3A_9 : i32
    %sign3A_11 = arith.extui %sign3A_10 : i1 to i32
    %sign3A_12 = arith.constant 0 : i32
    %sign3A_13 = arith.cmpi slt, %jit3A, %sign3A_12 : i32
    %sign3A_14 = arith.extui %sign3A_13 : i1 to i32
    %sign3A_15 = arith.subi %sign3A_11, %sign3A_14 : i32
    %ne3A = arith.cmpi ne, %sign3A_8, %sign3A_15 : i32
    %rem3A = arith.remsi %add3A, %jit3A : i32
    %ne3A_16 = arith.constant 0 : i32
    %ne3A_17 = arith.cmpi ne, %rem3A, %ne3A_16 : i32
    %and3A = arith.andi %ne3A, %ne3A_17 : i1
    %sub3A = arith.constant 1 : i32
    %sub3A_18 = arith.subi %div3A, %sub3A : i32
    %select_n3A = arith.select %and3A, %sub3A_18, %div3A : i32
    %jit3A_19 = arith.constant 2 : i32
    %eq3A = arith.constant 0 : i32
    %eq3A_20 = arith.cmpi eq, %jit3A_19, %eq3A : i32
    %jit3A_21 = arith.constant 1 : i32
    %select_n3A_22 = arith.select %eq3A_20, %jit3A_21, %jit3A_19 : i32
    %rem3A_23 = arith.remsi %add3A, %select_n3A_22 : i32
    %ne3A_24 = arith.constant 0 : i32
    %ne3A_25 = arith.cmpi ne, %rem3A_23, %ne3A_24 : i32
    %lt3A = arith.constant 0 : i32
    %lt3A_26 = arith.cmpi slt, %rem3A_23, %lt3A : i32
    %lt3A_27 = arith.constant 0 : i32
    %lt3A_28 = arith.cmpi slt, %select_n3A_22, %lt3A_27 : i32
    %ne3A_29 = arith.xori %lt3A_26, %lt3A_28 : i1
    %and3A_30 = arith.andi %ne3A_29, %ne3A_25 : i1
    %add3A_31 = arith.addi %rem3A_23, %select_n3A_22 : i32
    %select_n3A_32 = arith.select %and3A_30, %add3A_31, %rem3A_23 : i32
    %mul3A_33 = arith.constant 2048 : i32
    %mul3A_34 = arith.muli %select_n3A_32, %mul3A_33 : i32
    "tpu.region"() ({
      %run_scoped3A = tpu.sem_alloc : memref<!tpu.dma_semaphore, #tpu.memory_space<semaphore_mem>>
      %dma_start3A = tpu.memref_slice %arg2[%select_n3A, %mul3A_34] : memref<16x4096xf32, #tpu.memory_space<hbm>> -> memref<1x2048xf32, #tpu.memory_space<hbm>>
      %dma_start3A_41 = tpu.memref_squeeze %dma_start3A : memref<1x2048xf32, #tpu.memory_space<hbm>> -> memref<2048xf32, #tpu.memory_space<hbm>>
      %dma_start3A_42 = tpu.memref_slice %arg2[%select_n3A, %mul3A_34] : memref<16x4096xf32, #tpu.memory_space<hbm>> -> memref<1x2048xf32, #tpu.memory_space<hbm>>
      %dma_start3A_43 = tpu.memref_squeeze %dma_start3A_42 : memref<1x2048xf32, #tpu.memory_space<hbm>> -> memref<2048xf32, #tpu.memory_space<hbm>>
      tpu.enqueue_dma source(%dma_start3A_43 : memref<2048xf32, #tpu.memory_space<hbm>>) target(%arg4 : memref<2048xf32, #tpu.memory_space<vmem>>) target_semaphore(%run_scoped3A : memref<!tpu.dma_semaphore, #tpu.memory_space<semaphore_mem>>)
      %dma_wait3A = tpu.memref_slice %arg2[%select_n3A, %mul3A_34] : memref<16x4096xf32, #tpu.memory_space<hbm>> -> memref<1x2048xf32, #tpu.memory_space<hbm>>
      %dma_wait3A_44 = tpu.memref_squeeze %dma_wait3A : memref<1x2048xf32, #tpu.memory_space<hbm>> -> memref<2048xf32, #tpu.memory_space<hbm>>
      %dma_wait3A_45 = tpu.memref_slice %arg2[%select_n3A, %mul3A_34] : memref<16x4096xf32, #tpu.memory_space<hbm>> -> memref<1x2048xf32, #tpu.memory_space<hbm>>
      %dma_wait3A_46 = tpu.memref_squeeze %dma_wait3A_45 : memref<1x2048xf32, #tpu.memory_space<hbm>> -> memref<2048xf32, #tpu.memory_space<hbm>>
      tpu.wait_dma2 semaphore(%run_scoped3A : memref<!tpu.dma_semaphore, #tpu.memory_space<semaphore_mem>>) src(%dma_wait3A_46 : memref<2048xf32, #tpu.memory_space<hbm>>) dst(%arg4 : memref<2048xf32, #tpu.memory_space<vmem>>)
      tpu.yield
    }) : () -> ()
    %broadcast_in_dim3A = arith.constant 0 : i32
    %broadcast_in_dim3A_35 = vector.broadcast %broadcast_in_dim3A : i32 to vector<16xi32>
    %scan3A = arith.constant 0 : i32
    %scan3A_36 = arith.constant 128 : i32
    %scan3A_37 = arith.addi %scan3A, %scan3A_36 : i32
    %scan3A_38 = arith.constant 8 : i32
    %scan3A_39 = scf.for %scan3A_41 = %scan3A to %scan3A_37 step %scan3A_38 iter_args(%scan3A_42 = %broadcast_in_dim3A_35) -> (vector<16xi32>)  : i32 {
      %mul3A_43 = arith.constant 16 : i32
      %mul3A_44 = arith.muli %scan3A_41, %mul3A_43 : i32
      %multiple_of3A = tpu.assume_multiple %mul3A_44, 16 : i32
      %get3A = arith.index_cast %multiple_of3A : i32 to index
      %get3A_45 = tpu.vector_load %arg4[%get3A] {strides = array<i32>} : memref<2048xf32, #tpu.memory_space<vmem>>, vector<16xf32>,
      %eq3A_46 = arith.cmpf oeq, %get3A_45, %get3A_45 : vector<16xf32>
      %jit3A_47 = arith.constant 1 : i32
      %jit3A_48 = arith.constant 0 : i32
      %broadcast_in_dim3A_49 = vector.broadcast %jit3A_47 : i32 to vector<16xi32>
      %broadcast_in_dim3A_50 = vector.broadcast %jit3A_48 : i32 to vector<16xi32>
      %select_n3A_51 = arith.select %eq3A_46, %broadcast_in_dim3A_49, %broadcast_in_dim3A_50 : vector<16xi1>, vector<16xi32>
      %broadcast_in_dim3A_52 = arith.constant true
      %broadcast_in_dim3A_53 = vector.broadcast %broadcast_in_dim3A_52 : i1 to vector<16xi1>
      %masked_cumsum3A = tpu.scan <sum>, %select_n3A_51 masked %broadcast_in_dim3A_53 : vector<16xi32>, vector<16xi1> -> vector<16xi32>
      %add3A_54 = arith.addi %scan3A_42, %masked_cumsum3A : vector<16xi32>
      %sub3A_55 = arith.constant 1 : i32
      %sub3A_56 = vector.broadcast %sub3A_55 : i32 to vector<16xi32>
      %sub3A_57 = arith.subi %add3A_54, %sub3A_56 : vector<16xi32>
      tpu.vector_store_idx %arg5[%sub3A_57], %get3A_45 masked %eq3A_46 : memref<2048xf32, #tpu.memory_space<vmem>>[vector<16xi32>], vector<16xf32>, vector<16xi1>
      %all_reduce_population_count3A = tpu.all_reduce %eq3A_46 {dim = 0 : i64, kind = #tpu.reduction_kind<sum>} : vector<16xi1> -> vector<16xi32>
      %add3A_58 = arith.addi %scan3A_42, %all_reduce_population_count3A : vector<16xi32>
      %scan3A_59 = arith.constant 1 : i32
      %scan3A_60 = arith.addi %scan3A_41, %scan3A_59 : i32
      %mul3A_61 = arith.constant 16 : i32
      %mul3A_62 = arith.muli %scan3A_60, %mul3A_61 : i32
      %multiple_of3A_63 = tpu.assume_multiple %mul3A_62, 16 : i32
      %get3A_64 = arith.index_cast %multiple_of3A_63 : i32 to index
      %get3A_65 = tpu.vector_load %arg4[%get3A_64] {strides = array<i32>} : memref<2048xf32, #tpu.memory_space<vmem>>, vector<16xf32>,
      %eq3A_66 = arith.cmpf oeq, %get3A_65, %get3A_65 : vector<16xf32>
      %jit3A_67 = arith.constant 1 : i32
      %jit3A_68 = arith.constant 0 : i32
      %broadcast_in_dim3A_69 = vector.broadcast %jit3A_67 : i32 to vector<16xi32>
      %broadcast_in_dim3A_70 = vector.broadcast %jit3A_68 : i32 to vector<16xi32>
      %select_n3A_71 = arith.select %eq3A_66, %broadcast_in_dim3A_69, %broadcast_in_dim3A_70 : vector<16xi1>, vector<16xi32>
      %broadcast_in_dim3A_72 = arith.constant true
      %broadcast_in_dim3A_73 = vector.broadcast %broadcast_in_dim3A_72 : i1 to vector<16xi1>
      %masked_cumsum3A_74 = tpu.scan <sum>, %select_n3A_71 masked %broadcast_in_dim3A_73 : vector<16xi32>, vector<16xi1> -> vector<16xi32>
      %add3A_75 = arith.addi %add3A_58, %masked_cumsum3A_74 : vector<16xi32>
      %sub3A_76 = arith.constant 1 : i32
      %sub3A_77 = vector.broadcast %sub3A_76 : i32 to vector<16xi32>
      %sub3A_78 = arith.subi %add3A_75, %sub3A_77 : vector<16xi32>
      tpu.vector_store_idx %arg5[%sub3A_78], %get3A_65 masked %eq3A_66 : memref<2048xf32, #tpu.memory_space<vmem>>[vector<16xi32>], vector<16xf32>, vector<16xi1>
      %all_reduce_population_count3A_79 = tpu.all_reduce %eq3A_66 {dim = 0 : i64, kind = #tpu.reduction_kind<sum>} : vector<16xi1> -> vector<16xi32>
      %add3A_80 = arith.addi %add3A_58, %all_reduce_population_count3A_79 : vector<16xi32>
      %scan3A_81 = arith.constant 2 : i32
      %scan3A_82 = arith.addi %scan3A_41, %scan3A_81 : i32
      %mul3A_83 = arith.constant 16 : i32
      %mul3A_84 = arith.muli %scan3A_82, %mul3A_83 : i32
      %multiple_of3A_85 = tpu.assume_multiple %mul3A_84, 16 : i32
      %get3A_86 = arith.index_cast %multiple_of3A_85 : i32 to index
      %get3A_87 = tpu.vector_load %arg4[%get3A_86] {strides = array<i32>} : memref<2048xf32, #tpu.memory_space<vmem>>, vector<16xf32>,
      %eq3A_88 = arith.cmpf oeq, %get3A_87, %get3A_87 : vector<16xf32>
      %jit3A_89 = arith.constant 1 : i32
      %jit3A_90 = arith.constant 0 : i32
      %broadcast_in_dim3A_91 = vector.broadcast %jit3A_89 : i32 to vector<16xi32>
      %broadcast_in_dim3A_92 = vector.broadcast %jit3A_90 : i32 to vector<16xi32>
      %select_n3A_93 = arith.select %eq3A_88, %broadcast_in_dim3A_91, %broadcast_in_dim3A_92 : vector<16xi1>, vector<16xi32>
      %broadcast_in_dim3A_94 = arith.constant true
      %broadcast_in_dim3A_95 = vector.broadcast %broadcast_in_dim3A_94 : i1 to vector<16xi1>
      %masked_cumsum3A_96 = tpu.scan <sum>, %select_n3A_93 masked %broadcast_in_dim3A_95 : vector<16xi32>, vector<16xi1> -> vector<16xi32>
      %add3A_97 = arith.addi %add3A_80, %masked_cumsum3A_96 : vector<16xi32>
      %sub3A_98 = arith.constant 1 : i32
      %sub3A_99 = vector.broadcast %sub3A_98 : i32 to vector<16xi32>
      %sub3A_100 = arith.subi %add3A_97, %sub3A_99 : vector<16xi32>
      tpu.vector_store_idx %arg5[%sub3A_100], %get3A_87 masked %eq3A_88 : memref<2048xf32, #tpu.memory_space<vmem>>[vector<16xi32>], vector<16xf32>, vector<16xi1>
      %all_reduce_population_count3A_101 = tpu.all_reduce %eq3A_88 {dim = 0 : i64, kind = #tpu.reduction_kind<sum>} : vector<16xi1> -> vector<16xi32>
      %add3A_102 = arith.addi %add3A_80, %all_reduce_population_count3A_101 : vector<16xi32>
      %scan3A_103 = arith.constant 3 : i32
      %scan3A_104 = arith.addi %scan3A_41, %scan3A_103 : i32
      %mul3A_105 = arith.constant 16 : i32
      %mul3A_106 = arith.muli %scan3A_104, %mul3A_105 : i32
      %multiple_of3A_107 = tpu.assume_multiple %mul3A_106, 16 : i32
      %get3A_108 = arith.index_cast %multiple_of3A_107 : i32 to index
      %get3A_109 = tpu.vector_load %arg4[%get3A_108] {strides = array<i32>} : memref<2048xf32, #tpu.memory_space<vmem>>, vector<16xf32>,
      %eq3A_110 = arith.cmpf oeq, %get3A_109, %get3A_109 : vector<16xf32>
      %jit3A_111 = arith.constant 1 : i32
      %jit3A_112 = arith.constant 0 : i32
      %broadcast_in_dim3A_113 = vector.broadcast %jit3A_111 : i32 to vector<16xi32>
      %broadcast_in_dim3A_114 = vector.broadcast %jit3A_112 : i32 to vector<16xi32>
      %select_n3A_115 = arith.select %eq3A_110, %broadcast_in_dim3A_113, %broadcast_in_dim3A_114 : vector<16xi1>, vector<16xi32>
      %broadcast_in_dim3A_116 = arith.constant true
      %broadcast_in_dim3A_117 = vector.broadcast %broadcast_in_dim3A_116 : i1 to vector<16xi1>
      %masked_cumsum3A_118 = tpu.scan <sum>, %select_n3A_115 masked %broadcast_in_dim3A_117 : vector<16xi32>, vector<16xi1> -> vector<16xi32>
      %add3A_119 = arith.addi %add3A_102, %masked_cumsum3A_118 : vector<16xi32>
      %sub3A_120 = arith.constant 1 : i32
      %sub3A_121 = vector.broadcast %sub3A_120 : i32 to vector<16xi32>
      %sub3A_122 = arith.subi %add3A_119, %sub3A_121 : vector<16xi32>
      tpu.vector_store_idx %arg5[%sub3A_122], %get3A_109 masked %eq3A_110 : memref<2048xf32, #tpu.memory_space<vmem>>[vector<16xi32>], vector<16xf32>, vector<16xi1>
      %all_reduce_population_count3A_123 = tpu.all_reduce %eq3A_110 {dim = 0 : i64, kind = #tpu.reduction_kind<sum>} : vector<16xi1> -> vector<16xi32>
      %add3A_124 = arith.addi %add3A_102, %all_reduce_population_count3A_123 : vector<16xi32>
      %scan3A_125 = arith.constant 4 : i32
      %scan3A_126 = arith.addi %scan3A_41, %scan3A_125 : i32
      %mul3A_127 = arith.constant 16 : i32
      %mul3A_128 = arith.muli %scan3A_126, %mul3A_127 : i32
      %multiple_of3A_129 = tpu.assume_multiple %mul3A_128, 16 : i32
      %get3A_130 = arith.index_cast %multiple_of3A_129 : i32 to index
      %get3A_131 = tpu.vector_load %arg4[%get3A_130] {strides = array<i32>} : memref<2048xf32, #tpu.memory_space<vmem>>, vector<16xf32>,
      %eq3A_132 = arith.cmpf oeq, %get3A_131, %get3A_131 : vector<16xf32>
      %jit3A_133 = arith.constant 1 : i32
      %jit3A_134 = arith.constant 0 : i32
      %broadcast_in_dim3A_135 = vector.broadcast %jit3A_133 : i32 to vector<16xi32>
      %broadcast_in_dim3A_136 = vector.broadcast %jit3A_134 : i32 to vector<16xi32>
      %select_n3A_137 = arith.select %eq3A_132, %broadcast_in_dim3A_135, %broadcast_in_dim3A_136 : vector<16xi1>, vector<16xi32>
      %broadcast_in_dim3A_138 = arith.constant true
      %broadcast_in_dim3A_139 = vector.broadcast %broadcast_in_dim3A_138 : i1 to vector<16xi1>
      %masked_cumsum3A_140 = tpu.scan <sum>, %select_n3A_137 masked %broadcast_in_dim3A_139 : vector<16xi32>, vector<16xi1> -> vector<16xi32>
      %add3A_141 = arith.addi %add3A_124, %masked_cumsum3A_140 : vector<16xi32>
      %sub3A_142 = arith.constant 1 : i32
      %sub3A_143 = vector.broadcast %sub3A_142 : i32 to vector<16xi32>
      %sub3A_144 = arith.subi %add3A_141, %sub3A_143 : vector<16xi32>
      tpu.vector_store_idx %arg5[%sub3A_144], %get3A_131 masked %eq3A_132 : memref<2048xf32, #tpu.memory_space<vmem>>[vector<16xi32>], vector<16xf32>, vector<16xi1>
      %all_reduce_population_count3A_145 = tpu.all_reduce %eq3A_132 {dim = 0 : i64, kind = #tpu.reduction_kind<sum>} : vector<16xi1> -> vector<16xi32>
      %add3A_146 = arith.addi %add3A_124, %all_reduce_population_count3A_145 : vector<16xi32>
      %scan3A_147 = arith.constant 5 : i32
      %scan3A_148 = arith.addi %scan3A_41, %scan3A_147 : i32
      %mul3A_149 = arith.constant 16 : i32
      %mul3A_150 = arith.muli %scan3A_148, %mul3A_149 : i32
      %multiple_of3A_151 = tpu.assume_multiple %mul3A_150, 16 : i32
      %get3A_152 = arith.index_cast %multiple_of3A_151 : i32 to index
      %get3A_153 = tpu.vector_load %arg4[%get3A_152] {strides = array<i32>} : memref<2048xf32, #tpu.memory_space<vmem>>, vector<16xf32>,
      %eq3A_154 = arith.cmpf oeq, %get3A_153, %get3A_153 : vector<16xf32>
      %jit3A_155 = arith.constant 1 : i32
      %jit3A_156 = arith.constant 0 : i32
      %broadcast_in_dim3A_157 = vector.broadcast %jit3A_155 : i32 to vector<16xi32>
      %broadcast_in_dim3A_158 = vector.broadcast %jit3A_156 : i32 to vector<16xi32>
      %select_n3A_159 = arith.select %eq3A_154, %broadcast_in_dim3A_157, %broadcast_in_dim3A_158 : vector<16xi1>, vector<16xi32>
      %broadcast_in_dim3A_160 = arith.constant true
      %broadcast_in_dim3A_161 = vector.broadcast %broadcast_in_dim3A_160 : i1 to vector<16xi1>
      %masked_cumsum3A_162 = tpu.scan <sum>, %select_n3A_159 masked %broadcast_in_dim3A_161 : vector<16xi32>, vector<16xi1> -> vector<16xi32>
      %add3A_163 = arith.addi %add3A_146, %masked_cumsum3A_162 : vector<16xi32>
      %sub3A_164 = arith.constant 1 : i32
      %sub3A_165 = vector.broadcast %sub3A_164 : i32 to vector<16xi32>
      %sub3A_166 = arith.subi %add3A_163, %sub3A_165 : vector<16xi32>
      tpu.vector_store_idx %arg5[%sub3A_166], %get3A_153 masked %eq3A_154 : memref<2048xf32, #tpu.memory_space<vmem>>[vector<16xi32>], vector<16xf32>, vector<16xi1>
      %all_reduce_population_count3A_167 = tpu.all_reduce %eq3A_154 {dim = 0 : i64, kind = #tpu.reduction_kind<sum>} : vector<16xi1> -> vector<16xi32>
      %add3A_168 = arith.addi %add3A_146, %all_reduce_population_count3A_167 : vector<16xi32>
      %scan3A_169 = arith.constant 6 : i32
      %scan3A_170 = arith.addi %scan3A_41, %scan3A_169 : i32
      %mul3A_171 = arith.constant 16 : i32
      %mul3A_172 = arith.muli %scan3A_170, %mul3A_171 : i32
      %multiple_of3A_173 = tpu.assume_multiple %mul3A_172, 16 : i32
      %get3A_174 = arith.index_cast %multiple_of3A_173 : i32 to index
      %get3A_175 = tpu.vector_load %arg4[%get3A_174] {strides = array<i32>} : memref<2048xf32, #tpu.memory_space<vmem>>, vector<16xf32>,
      %eq3A_176 = arith.cmpf oeq, %get3A_175, %get3A_175 : vector<16xf32>
      %jit3A_177 = arith.constant 1 : i32
      %jit3A_178 = arith.constant 0 : i32
      %broadcast_in_dim3A_179 = vector.broadcast %jit3A_177 : i32 to vector<16xi32>
      %broadcast_in_dim3A_180 = vector.broadcast %jit3A_178 : i32 to vector<16xi32>
      %select_n3A_181 = arith.select %eq3A_176, %broadcast_in_dim3A_179, %broadcast_in_dim3A_180 : vector<16xi1>, vector<16xi32>
      %broadcast_in_dim3A_182 = arith.constant true
      %broadcast_in_dim3A_183 = vector.broadcast %broadcast_in_dim3A_182 : i1 to vector<16xi1>
      %masked_cumsum3A_184 = tpu.scan <sum>, %select_n3A_181 masked %broadcast_in_dim3A_183 : vector<16xi32>, vector<16xi1> -> vector<16xi32>
      %add3A_185 = arith.addi %add3A_168, %masked_cumsum3A_184 : vector<16xi32>
      %sub3A_186 = arith.constant 1 : i32
      %sub3A_187 = vector.broadcast %sub3A_186 : i32 to vector<16xi32>
      %sub3A_188 = arith.subi %add3A_185, %sub3A_187 : vector<16xi32>
      tpu.vector_store_idx %arg5[%sub3A_188], %get3A_175 masked %eq3A_176 : memref<2048xf32, #tpu.memory_space<vmem>>[vector<16xi32>], vector<16xf32>, vector<16xi1>
      %all_reduce_population_count3A_189 = tpu.all_reduce %eq3A_176 {dim = 0 : i64, kind = #tpu.reduction_kind<sum>} : vector<16xi1> -> vector<16xi32>
      %add3A_190 = arith.addi %add3A_168, %all_reduce_population_count3A_189 : vector<16xi32>
      %scan3A_191 = arith.constant 7 : i32
      %scan3A_192 = arith.addi %scan3A_41, %scan3A_191 : i32
      %mul3A_193 = arith.constant 16 : i32
      %mul3A_194 = arith.muli %scan3A_192, %mul3A_193 : i32
      %multiple_of3A_195 = tpu.assume_multiple %mul3A_194, 16 : i32
      %get3A_196 = arith.index_cast %multiple_of3A_195 : i32 to index
      %get3A_197 = tpu.vector_load %arg4[%get3A_196] {strides = array<i32>} : memref<2048xf32, #tpu.memory_space<vmem>>, vector<16xf32>,
      %eq3A_198 = arith.cmpf oeq, %get3A_197, %get3A_197 : vector<16xf32>
      %jit3A_199 = arith.constant 1 : i32
      %jit3A_200 = arith.constant 0 : i32
      %broadcast_in_dim3A_201 = vector.broadcast %jit3A_199 : i32 to vector<16xi32>
      %broadcast_in_dim3A_202 = vector.broadcast %jit3A_200 : i32 to vector<16xi32>
      %select_n3A_203 = arith.select %eq3A_198, %broadcast_in_dim3A_201, %broadcast_in_dim3A_202 : vector<16xi1>, vector<16xi32>
      %broadcast_in_dim3A_204 = arith.constant true
      %broadcast_in_dim3A_205 = vector.broadcast %broadcast_in_dim3A_204 : i1 to vector<16xi1>
      %masked_cumsum3A_206 = tpu.scan <sum>, %select_n3A_203 masked %broadcast_in_dim3A_205 : vector<16xi32>, vector<16xi1> -> vector<16xi32>
      %add3A_207 = arith.addi %add3A_190, %masked_cumsum3A_206 : vector<16xi32>
      %sub3A_208 = arith.constant 1 : i32
      %sub3A_209 = vector.broadcast %sub3A_208 : i32 to vector<16xi32>
      %sub3A_210 = arith.subi %add3A_207, %sub3A_209 : vector<16xi32>
      tpu.vector_store_idx %arg5[%sub3A_210], %get3A_197 masked %eq3A_198 : memref<2048xf32, #tpu.memory_space<vmem>>[vector<16xi32>], vector<16xf32>, vector<16xi1>
      %all_reduce_population_count3A_211 = tpu.all_reduce %eq3A_198 {dim = 0 : i64, kind = #tpu.reduction_kind<sum>} : vector<16xi1> -> vector<16xi32>
      %add3A_212 = arith.addi %add3A_190, %all_reduce_population_count3A_211 : vector<16xi32>
      scf.yield %add3A_212 : vector<16xi32>
    }
    %scan3A_40 = arith.constant 128 : i32
    return
  }
}

</mosaic_0001>

<sc_bundles>
// kernel: kernel.3.cloned.1.call-start
scs
__scs_entry_jumppad:
0x0: {  	(pc) =	sbr.rel $0x88, $3  }
0x1: {  	(tag) =	ssettag $0x0;
	lr =	simm.s32 $0x1  }
0x2: {  	[smem:$0x3FA0] =	sst lr;
	_ =	strace $0xD0000000  }
0x3: {  	_ = 	snop  }
0x4: {  	_ = 	snop  }
0x5: {  	_ = 	snop  }
0x6: {  	_ = 	snop  }
0x7: {  	_ = 	snop  }
__scs_overlays_trampoline_lowered:
0x8: {  	[smem:$0x3FAF] =	sst s0  }
0x9: {  	[smem:$0x3FB0] =	sst s1  }
0xa: {  	[smem:$0x3FB1] =	sst s2  }
0xb: {  	[smem:$0x3FB2] =	sst s3  }
0xc: {  	[smem:$0x3FB3] =	sst s4  }
0xd: {  	[smem:$0x3FB4] =	sst s5  }
0xe: {  	[smem:$0x3FB5] =	sst s6  }
0xf: {  	[smem:$0x3FB6] =	sst s7  }
0x10: {  	[smem:$0x3FB7] =	sst s8  }
0x11: {  	[smem:$0x3FB8] =	sst s9;
	s0 =	simm.s32 @!p0 $0x0  }
0x12: {  	s1 =	sld [smem:$0x3F9E];
	s0 =	simm.s32 @p0 $0x1  }
0x13: {  	[smem:$0x3FB9] =	sst s0;
	s0 =	simm.s32 @!p1 $0x0  }
0x14: {  	s2 =	sld [smem:$0x3F9D];
	s0 =	simm.s32 @p1 $0x1  }
0x15: {  	[smem:$0x3FBA] =	sst s0;
	s0 =	simm.s32 @!p2 $0x0  }
0x16: {  	s3 =	sld [smem:$0x3FDB];
	s0 =	simm.s32 @p2 $0x1  }
0x17: {  	s4 =	simm.s32 $0x1BF5;
	[smem:$0x3FBC] =	sst s0  }
0x18: {  	s0 =	sld [smem:$0x3F9F];
	_ =	swait.ge [sflag:s4], $0x0  }
0x19: {  	s7 =	sld [smem:$0x3FA0]  }
0x1a: {  	s8 =	sadd.s32 $0xFFFFE003, lr  }
0x1b: {  	s9 =	sadd.s32 $0xFFFFFEF7, lr;
	s5 =	simm.s32 $0xFFFFFFFF;
	p2 =	slt.u32 s8, $0xFFFFF086  }
0x1c: {  	p1 =	slt.u32 s9, $0xF7A;
	s5 =	simm.s32 @!p2 $0x0  }
0x1d: {  	s5 =	simm.s32 @p1 $0x1;
	p0 =	seq.s32 s7, s2  }
0x1e: {  	s7 =	smul.u32 @!p0 $0xF7A, s2;
	p2 =	seq.s32 @!p0 s5, $0x0  }
0x1f: {  	s9 =	smul.u32 $0xF7A, s1;
	s8 =	simm.s32 @!p0 $0x1BF5;
	p2 =	por !p2, p0  }
0x20: {  	[sflag:s8] =	ssyncset.s32 @!p0 $0xFFFFF086;
	s6 =	sadd.s32 @!p0 s3, s7;
	s7 =	simm.s32 @!p0 $0x108  }
0x21: {  	s3 =	sadd.s32 s3, s9;
	s6 =	sadd.s32 @!p0 $0x88, s6;
	s7 =	simm.s32 @p2 $0x1082  }
0x22: {  	[simem:s7], [sflag:s8] =	dma.local @!p0 [hbm:s6], $0xF7A  }
0x23: {  	s9 =	sor.u32 $0xD0000000, s2;
	s6 =	simm.s32 $0x108;
	_ =	swait.ge @!p0 [sflag:s8], $0x0  }
0x24: {  	s3 =	sadd.s32 $0x88, s3;
	s6 =	simm.s32 @!p1 $0x1082;
	[sflag:s4] =	ssyncset.s32 $0xFFFFF086  }
0x25: {  	[simem:s6], [sflag:s4] =	dma.local [hbm:s3], $0xF7A  }
0x26: {  	[smem:$0x3FA0] =	sst s1;
	(tag) =	ssettag s2;
	_ =	strace s9  }
0x27: {  	s1 =	sld [smem:$0x3FB0]  }
0x28: {  	s2 =	sld [smem:$0x3FB1]  }
0x29: {  	s4 =	sld [smem:$0x3FB3]  }
0x2a: {  	p0 =	seq.s32 s5, $0x0;
	s5 =	sld [smem:$0x3FB4]  }
0x2b: {  	s6 =	sld [smem:$0x3FB5]  }
0x2c: {  	s7 =	sld [smem:$0x3FB6]  }
0x2d: {  	s3 =	simm.s32 $0x108;
	s8 =	sld [smem:$0x3FB7]  }
0x2e: {  	s3 =	simm.s32 @!p0 $0x1082;
	s9 =	sld [smem:$0x3FB8]  }
0x2f: {  	lr =	sadd.s32 s0, s3;
	s0 =	sld [smem:$0x3FAF]  }
0x30: {  	s3 =	sld [smem:$0x3FB2]  }
0x31: {  	[smem:$0x3FBB] =	sst s10  }
0x32: {  	s10 =	sld [smem:$0x3FB9];
	_ =	sdelay $0x3  }
0x33: {  	p0 =	seq.s32 s10, $0x1;
	s10 =	sld [smem:$0x3FBB];
	_ =	sdelay $0x3  }
0x34: {  	[smem:$0x3FBB] =	sst s10  }
0x35: {  	s10 =	sld [smem:$0x3FBA];
	_ =	sdelay $0x3  }
0x36: {  	p1 =	seq.s32 s10, $0x1;
	s10 =	sld [smem:$0x3FBB];
	_ =	sdelay $0x3  }
0x37: {  	[smem:$0x3FBB] =	sst s10  }
0x38: {  	s10 =	sld [smem:$0x3FBC]  }
0x39: {  	_ = 	snop;
	(pc) =	sbr.ind lr, $3  }
0x3a: {  	_ = 	snop  }
0x3b: {  	_ = 	snop  }
0x3c: {  	p2 =	seq.s32 s10, $0x1;
	s10 =	sld [smem:$0x3FBB]  }
0x3d: {  	_ =	shalt  }
0x3e: {  	_ =	shalt  }
0x3f: {  	_ =	shalt  }
0x40: {  	_ =	shalt  }
0x41: {  	_ =	shalt  }
0x42: {  	_ =	shalt  }
0x43: {  	_ =	shalt  }
0x44: {  	_ =	shalt  }
0x45: {  	_ =	shalt  }
0x46: {  	_ =	shalt  }
0x47: {  	_ =	shalt  }
0x48: {  	_ =	shalt  }
0x49: {  	_ =	shalt  }
0x4a: {  	_ =	shalt  }
0x4b: {  	_ =	shalt  }
0x4c: {  	_ =	shalt  }
0x4d: {  	_ =	shalt  }
0x4e: {  	_ =	shalt  }
0x4f: {  	_ =	shalt  }
0x50: {  	_ =	shalt  }
0x51: {  	_ =	shalt  }
0x52: {  	_ =	shalt  }
0x53: {  	_ =	shalt  }
0x54: {  	_ =	shalt  }
0x55: {  	_ =	shalt  }
0x56: {  	_ =	shalt  }
0x57: {  	_ =	shalt  }
0x58: {  	_ =	shalt  }
0x59: {  	_ =	shalt  }
0x5a: {  	_ =	shalt  }
0x5b: {  	_ =	shalt  }
0x5c: {  	_ =	shalt  }
0x5d: {  	_ =	shalt  }
0x5e: {  	_ =	shalt  }
0x5f: {  	_ =	shalt  }
0x60: {  	_ =	shalt  }
0x61: {  	_ =	shalt  }
0x62: {  	_ =	shalt  }
0x63: {  	_ =	shalt  }
0x64: {  	_ =	shalt  }
0x65: {  	_ =	shalt  }
0x66: {  	_ =	shalt  }
0x67: {  	_ =	shalt  }
0x68: {  	_ =	shalt  }
0x69: {  	_ =	shalt  }
0x6a: {  	_ =	shalt  }
0x6b: {  	_ =	shalt  }
0x6c: {  	_ =	shalt  }
0x6d: {  	_ =	shalt  }
0x6e: {  	_ =	shalt  }
0x6f: {  	_ =	shalt  }
0x70: {  	_ =	shalt  }
0x71: {  	_ =	shalt  }
0x72: {  	_ =	shalt  }
0x73: {  	_ =	shalt  }
0x74: {  	_ =	shalt  }
0x75: {  	_ =	shalt  }
0x76: {  	_ =	shalt  }
0x77: {  	_ =	shalt  }
0x78: {  	_ =	shalt  }
0x79: {  	_ =	shalt  }
0x7a: {  	_ =	shalt  }
0x7b: {  	_ =	shalt  }
0x7c: {  	_ =	shalt  }
0x7d: {  	_ =	shalt  }
0x7e: {  	_ =	shalt  }
0x7f: {  	_ =	shalt  }
0x80: {  	_ =	shalt  }
0x81: {  	_ =	shalt  }
0x82: {  	_ =	shalt  }
0x83: {  	_ =	shalt  }
0x84: {  	_ =	shalt  }
0x85: {  	_ =	shalt  }
0x86: {  	_ =	shalt  }
0x87: {  	_ =	shalt  }
.Lfunc_end0:
.L_simem_size_0:
called_computation_lowered:
.L_overlay_start_0:
0x88: {  	s2 =	sld [smem:$0x3FD9]  }
0x89: {  	s3 =	sld [smem:$0x3FFE];
	_ =	sdelay $0x1  }
0x8a: {  	s1 =	srdreg.scid  }
0x8b: {  	s0 =	sand.u32 $0x1, s1  }
0x8c: {  	s18 =	sshll.u32 s0, $0xA;
	s2 =	sadd.s32 s3, s2  }
0x8d: {  	s2 =	sadd.s32 s2, s18  }
0x8e: {  	[smem:$0x3FC7] =	sst s2  }
0x8f: {  	_ = 	snop  }
0x90: {  	s2 =	sld [smem:$0x3FC9];
	(tm) =	ssettm $0x1  }
0x91: {  	s19 =	sld [smem:$0x3FFB];
	_ =	sdelay $0x3  }
0x92: {  	_ =	strace s19  }
0x93: {  	s3 =	sld [smem:$0x3FFC];
	_ =	sdelay $0x3  }
0x94: {  	_ =	strace s3  }
0x95: {  	s3 =	sld [smem:$0x3FFD];
	_ =	sdelay $0x3  }
0x96: {  	_ =	strace s3  }
0x97: {  	_ =	strace $0x8FFFFFFF  }
0x98: {  	s20 =	sld [smem:$0x3FDB];
	_ =	sdelay $0x1  }
0x99: {  	s4 =	simm.s32 $_scs_section_size  }
0x9a: {  	s5 =	simm.s32 $_size__tile_overlayer_lowered;
	s6 =	simm.s32 $_tile_overlayer_lowered  }
0x9b: {  	s23 =	simm.s32 $0x1BFF;
	s22 =	sshll.u32 s6, $0x1;
	s3 =	sadd.s32 s4, s20  }
0x9c: {  	s7 =	simm.s32 $0x0;
	s21 =	sshll.u32 s5, $0x1;
	s5 =	sadd.s32 s22, s3  }
0x9d: {  	[timem:s7], [sflag:s23] =	dma.local [hbm:s5], s21  }
0x9e: {  	_ =	swait.ge [sflag:s23], s21  }
0x9f: {  	s4 =	ssub.s32 $0x0, s21;
	[sflag:s23] =	ssyncset.done $0x0  }
0xa0: {  	[sflag:s23] =	ssyncadd.s32 s4;
	_ =	sdelay $0x1  }
0xa1: {  	s24 =	simm.s32 $0x1B8B  }
0xa2: {  	_ =	swait.ge [sflag:s24], $0x1  }
0xa3: {  	[sflag:s24] =	ssyncset.done $0x0  }
0xa4: {  	s25 =	simm.s32 $0x1B8E;
	[sflag:s24] =	ssyncadd.s32 $0xFFFFFFFF  }
0xa5: {  	s26 =	simm.s32 $execute0_lowered;
	[smem:$0x3FD2] =	sst s25  }
0xa6: {  	s4 =	sshll.u32 s26, $0x1;
	_ =	strace $0x80000046;
	[dreg:$0x1] =	wrdreg $0xFFFFFFFF  }
0xa7: {  	s28 =	simm.s32 $_size_execute0_lowered;
	s3 =	sadd.s32 s3, s4;
	[dreg:$0x0] =	wrdreg $0x0  }
0xa8: {  	s4 =	sshll.u32 s28, $0x1;
	[dreg:$0x2] =	wrdreg s3  }
0xa9: {  	[dreg:$0x3] =	wrdreg s4  }
0xaa: {  	[dreg:$0x4] =	wrdreg $0xC0  }
0xab: {  	_ =	task [dreg:s7], $0x5FFFF  }
0xac: {  	[dreg:$0x1] =	wrdreg $0xFFFFFFFF  }
0xad: {  	[dreg:$0x0] =	wrdreg $0x60  }
0xae: {  	[dreg:$0x2] =	wrdreg s2  }
0xaf: {  	[dreg:$0x3] =	wrdreg $0x9  }
0xb0: {  	_ =	task.clear_ibuf [dreg:s7], $0x4FFFF;
	_ =	strace $0x90000046  }
0xb1: {  	s29 =	simm.s32 $0x9;
	_ =	strace $0x80000048  }
0xb2: {  	_ =	swait.ge [sflag:s29], $0x1  }
0xb3: {  	[sflag:s29] =	ssyncadd.s32 $0xFFFFFFFF  }
0xb4: {  	_ =	strace $0x90000048  }
0xb5: {  	_ =	sfence  }
0xb6: {  	s30 =	sld [smem:$0x0];
	_ =	sdelay $0x2  }
0xb7: {  	s31 =	sshll.u32 s1, $0xD;
	s1 =	sshrl.u32 s1, $0x2  }
0xb8: {  	s3 =	sand.u32 $0x4000, s31;
	s1 =	sadd.s32 s1, s30  }
0xb9: {  	s0 =	sor.u32 s3, s0;
	s1 =	sshll.u32 s1, $0x11  }
0xba: {  	s0 =	sor.u32 s1, s0  }
0xbb: {  	s0 =	sadd.s32 $0x8F2B, s0  }
0xbc: {  	[sflag:s0] =	ssyncadd.remote.s32 $0x1  }
0xbd: {  	_ =	sfence.sel $0xFFFF  }
0xbe: {  	[dreg:$0x0] =	wrdreg $0xFFFFFFFF;
	(pc) =	sbr.abs _section_cstart, $3  }
0xbf: {  	[dreg:$0x1] =	wrdreg $0xFFFFFFFF  }
0xc0: {  	_ =	task.clear_ibuf [dreg:s7], $0x2FFFF;
	_ =	strace $0x9FFFFFFF  }
0xc1: {  	(tm) =	ssettm $0x7FFFFFFF  }
tec
execute0_lowered:
.L_overlay_start_1:
0x0: {  	(tag) =	ssettag $0x1  }
0x1: {  	s1 =	srdreg.scid  }
0x2: {  	s0 =	stileid.u32;
	s3 =	sand.u32 $0x1, s1  }
0x3: {  	s1 =	sor.u32 s3, s0  }
0x4: {  	p1 =	seq.s32 s3, $0x1;
	p0 =	seq.s32 s1, $0x0  }
0x5: {  	p0 =	por !p0, !p1  }
0x6: {  	s4 =	simm.s32 $0x1;
	s5 =	rddreg [dreg:$0x0];
	p0 =	por !p0, !p0  }
0x7: {  	s2 =	simm.s32 $0x0;
	s8 =	simm.s32 $0x800;
	s4 =	simm.s32 @!p0 $0x0  }
0x8: {  	s9 =	simm.s32 $0x0;
	[smem:$0x7FF] =	sst s2;
	s4 =	ssub.s32 s0, s4  }
0x9: {  	s7 =	sshll.u32 s3, $0xE;
	s3 =	ssub.s32 $0x2, s3;
	s6 =	sshll.u32 s4, $0xC  }
0xa: {  	s1 =	rddreg [dreg:$0x1];
	s4 =	sshll.u32 s4, $0x7;
	s6 =	sand.u32 $0xFFFF8000, s6  }
0xb: {  	s30 =	sshrl.u32 s3, $0x1;
	s4 =	sand.u32 $0x380, s4;
	s6 =	sor.u32 s7, s6  }
0xc: {  	_ =	strace $0x80000047;
	s31 =	ssub.s32 s3, s30;
	s4 =	sor.u32 s4, s6  }
0xd: {  	s3 =	simm.s32 $0x1;
	s7 =	simm.s32 $0x400;
	s4 =	sshrl.u32 s4, $0x3  }
0xe: {  	vm0 =	vmmov $0xffff;
	v0 =	vimm.s32 $0x0;
	s6 =	simm.s32 $0x80;
	s4 =	sadd.s32 s5, s4;
	s5 =	smax.u32 s31, $0x1  }
.LBB2_1:
0xf: {  	[tilespmem:s2], [sflag:$0x1] =	stream.strided.gather [hbm4b:s4+s6], $0x800, s7, s6, $0x38;
	[tilespmem:$0x1000] =	vst v63  }
0x10: {  	_ =	swait.ge [sflag:s3], $0x800  }
0x11: {  	[sflag:s3] =	ssyncset.done $0x0  }
0x12: {  	s10 =	simm.s32 $0xFFFFFFF8;
	s11 =	simm.s32 $0x40;
	v1 =	vimm.s32 $0x0;
	[sflag:s3] =	ssyncadd.s32 $0xFFFFF800  }
.LBB2_2:
0x13: {  	v2 =	vld [tilespmem:s11+$0xFFFFFFC0];
	_ =	sdelay $0x4  }
0x14: {  	vm1 =	veq.f32 v2, v2  }
0x15: {  	vm1 =	vmand vm1, vm0  }
0x16: {  	v3 =	vsel vm1, $0x1, v0  }
0x17: {  	(xrf0) =	vadd.scan.msk.s32 $0xffff, v3;
	_ =	sdelay $0x5  }
0x18: {  	v3, _, _ =	vpop (xrf0)  }
0x19: {  	v3 =	vadd.s32 v3, v1  }
0x1a: {  	v3 =	vadd.s32 $0xFFFFFFFF, v3;
	_ =	sdelay $0x4  }
0x1b: {  	[tilespmem:v3+s8+$0x0] =	vst.idx.msk vm1, v2  }
0x1c: {  	v2 =	vld [tilespmem:s11+$0xFFFFFFD0];
	_ =	sdelay $0x4  }
0x1d: {  	vm2 =	veq.f32 v2, v2  }
0x1e: {  	vm2 =	vmand vm2, vm0  }
0x1f: {  	v3 =	vsel vm2, $0x1, v0  }
0x20: {  	(xrf0) =	vadd.scan.msk.s32 $0xffff, v3;
	_ =	sdelay $0x1  }
0x21: {  	v3 =	vmpcnt.ones.xlane vm1;
	_ =	sdelay $0x3  }
0x22: {  	v1 =	vadd.s32 v1, v3;
	v3, _, _ =	vpop (xrf0)  }
0x23: {  	v3 =	vadd.s32 v3, v1  }
0x24: {  	v3 =	vadd.s32 $0xFFFFFFFF, v3;
	_ =	sdelay $0x4  }
0x25: {  	[tilespmem:v3+s8+$0x0] =	vst.idx.msk vm2, v2  }
0x26: {  	v2 =	vld [tilespmem:s11+$0xFFFFFFE0];
	_ =	sdelay $0x4  }
0x27: {  	vm1 =	veq.f32 v2, v2  }
0x28: {  	vm1 =	vmand vm1, vm0  }
0x29: {  	v3 =	vsel vm1, $0x1, v0  }
0x2a: {  	(xrf0) =	vadd.scan.msk.s32 $0xffff, v3;
	_ =	sdelay $0x1  }
0x2b: {  	v3 =	vmpcnt.ones.xlane vm2;
	_ =	sdelay $0x3  }
0x2c: {  	v1 =	vadd.s32 v1, v3;
	v3, _, _ =	vpop (xrf0)  }
0x2d: {  	v3 =	vadd.s32 v3, v1  }
0x2e: {  	v3 =	vadd.s32 $0xFFFFFFFF, v3;
	_ =	sdelay $0x4  }
0x2f: {  	[tilespmem:v3+s8+$0x0] =	vst.idx.msk vm1, v2  }
0x30: {  	v2 =	vld [tilespmem:s11+$0xFFFFFFF0];
	_ =	sdelay $0x4  }
0x31: {  	vm2 =	veq.f32 v2, v2  }
0x32: {  	vm2 =	vmand vm2, vm0  }
0x33: {  	v3 =	vsel vm2, $0x1, v0  }
0x34: {  	(xrf0) =	vadd.scan.msk.s32 $0xffff, v3;
	_ =	sdelay $0x1  }
0x35: {  	v3 =	vmpcnt.ones.xlane vm1;
	_ =	sdelay $0x3  }
0x36: {  	v1 =	vadd.s32 v1, v3;
	v3, _, _ =	vpop (xrf0)  }
0x37: {  	v3 =	vadd.s32 v3, v1  }
0x38: {  	v3 =	vadd.s32 $0xFFFFFFFF, v3;
	_ =	sdelay $0x4  }
0x39: {  	[tilespmem:v3+s8+$0x0] =	vst.idx.msk vm2, v2  }
0x3a: {  	v2 =	vld [tilespmem:s11+$0x0];
	_ =	sdelay $0x4  }
0x3b: {  	vm1 =	veq.f32 v2, v2  }
0x3c: {  	vm1 =	vmand vm1, vm0  }
0x3d: {  	v3 =	vsel vm1, $0x1, v0  }
0x3e: {  	(xrf0) =	vadd.scan.msk.s32 $0xffff, v3;
	_ =	sdelay $0x1  }
0x3f: {  	v3 =	vmpcnt.ones.xlane vm2;
	_ =	sdelay $0x3  }
0x40: {  	v1 =	vadd.s32 v1, v3;
	v3, _, _ =	vpop (xrf0)  }
0x41: {  	v3 =	vadd.s32 v3, v1  }
0x42: {  	v3 =	vadd.s32 $0xFFFFFFFF, v3;
	_ =	sdelay $0x4  }
0x43: {  	[tilespmem:v3+s8+$0x0] =	vst.idx.msk vm1, v2  }
0x44: {  	v2 =	vld [tilespmem:s11+$0x10];
	_ =	sdelay $0x4  }
0x45: {  	vm2 =	veq.f32 v2, v2  }
0x46: {  	vm2 =	vmand vm2, vm0  }
0x47: {  	v3 =	vsel vm2, $0x1, v0  }
0x48: {  	(xrf0) =	vadd.scan.msk.s32 $0xffff, v3;
	_ =	sdelay $0x1  }
0x49: {  	v3 =	vmpcnt.ones.xlane vm1;
	_ =	sdelay $0x3  }
0x4a: {  	v1 =	vadd.s32 v1, v3;
	v3, _, _ =	vpop (xrf0)  }
0x4b: {  	v3 =	vadd.s32 v3, v1  }
0x4c: {  	v3 =	vadd.s32 $0xFFFFFFFF, v3;
	_ =	sdelay $0x4  }
0x4d: {  	[tilespmem:v3+s8+$0x0] =	vst.idx.msk vm2, v2  }
0x4e: {  	v2 =	vld [tilespmem:s11+$0x20];
	_ =	sdelay $0x4  }
0x4f: {  	vm1 =	veq.f32 v2, v2  }
0x50: {  	vm1 =	vmand vm1, vm0  }
0x51: {  	v3 =	vsel vm1, $0x1, v0  }
0x52: {  	(xrf0) =	vadd.scan.msk.s32 $0xffff, v3;
	_ =	sdelay $0x1  }
0x53: {  	v3 =	vmpcnt.ones.xlane vm2;
	_ =	sdelay $0x3  }
0x54: {  	v1 =	vadd.s32 v1, v3;
	v3, _, _ =	vpop (xrf0)  }
0x55: {  	v3 =	vadd.s32 v3, v1  }
0x56: {  	v3 =	vadd.s32 $0xFFFFFFFF, v3;
	_ =	sdelay $0x4  }
0x57: {  	[tilespmem:v3+s8+$0x0] =	vst.idx.msk vm1, v2  }
0x58: {  	v2 =	vld [tilespmem:s11+$0x30];
	_ =	sdelay $0x4  }
0x59: {  	vm2 =	veq.f32 v2, v2  }
0x5a: {  	vm2 =	vmand vm2, vm0  }
0x5b: {  	v3 =	vsel vm2, $0x1, v0  }
0x5c: {  	(xrf0) =	vadd.scan.msk.s32 $0xffff, v3;
	_ =	sdelay $0x1  }
0x5d: {  	v3 =	vmpcnt.ones.xlane vm1;
	_ =	sdelay $0x3  }
0x5e: {  	v1 =	vadd.s32 v1, v3;
	v3, _, _ =	vpop (xrf0)  }
0x5f: {  	s10 =	sadd.s32 $0x8, s10;
	v3 =	vadd.s32 v3, v1  }
0x60: {  	p0 =	slt.u32 s10, $0x78;
	v3 =	vadd.s32 $0xFFFFFFFF, v3  }
.Ltmp0:
0x61: {  	_ = 	snop;
	(pc) =	sbr.rel @p0 .LBB2_2-.Ltmp0, $3  }
0x62: {  	_ = 	snop  }
0x63: {  	v4 =	vmpcnt.ones.xlane vm2;
	_ =	sdelay $0x1  }
0x64: {  	s11 =	sadd.s32 $0x80, s11;
	v1 =	vadd.s32 v1, v4;
	[tilespmem:v3+s8+$0x0] =	vst.idx.msk vm2, v2  }
0x65: {  	s9 =	sadd.s32 $0x1, s9  }
0x66: {  	p0 =	sne.s32 s9, s5  }
.Ltmp1:
0x67: {  	_ = 	snop;
	(pc) =	sbr.rel @p0 .LBB2_1-.Ltmp1, $1  }
0x68: {  	_ =	sdelay $0x3  }
0x69: {  	_ =	sfence.sel $0x180000  }
0x6a: {  	[bflag:$0x0] =	sbarrier.arrive $0xFFFF  }
0x6b: {  	p0 =	sne.s32 s0, $0x0;
	_ =	strace $0x90000047  }
0x6c: {  	s0 =	sadd.s32 @!p0 $0x100000, s1;
	[bflag:$0x2] =	sbarrier.arrive $0xFFFF  }
0x6d: {  	[sflag:s0] =	ssyncadd.tile.s32 @!p0 $0x1;
	_ =	shalt  }
.Lfunc_end2:
_tile_overlayer_lowered:
.L_overlay_start_2:
0x6e: {  	(tag) =	ssettag $0x2  }
0x6f: {  	s0 =	rddreg [dreg:$0x0];
	s2 =	stileid.u32  }
0x70: {  	s1 =	rddreg [dreg:$0x1];
	p0 =	sne.s32 s2, $0x0  }
0x71: {  	s3 =	rddreg [dreg:$0x2];
	[bflag:$0x3] =	sbarrier.arrive $0xFFFF;
	s2 =	simm.s32 @!p0 $0x1C01  }
0x72: {  	[timem:s3], [sflag:s2] =	dma.local @!p0 [hbm:s0], s1  }
0x73: {  	s0 =	simm.s32 @!p0 $0x1  }
0x74: {  	_ =	swait.ge @!p0 [sflag:s0], s1  }
0x75: {  	s1 =	ssub.s32 @!p0 $0x0, s1;
	[sflag:s0] =	ssyncset.done @!p0 $0x0  }
0x76: {  	[sflag:s0] =	ssyncadd.s32 @!p0 s1  }
0x77: {  	[bflag:$0x3] =	sbarrier.arrive $0xFFFF  }
0x78: {  	_ =	shalt  }

</sc_bundles>
